<compile_context>
chip_gen: v7x
topology: tpu7x:2x2x1
jax: 0.10.2.dev20260603
libtpu: 0.0.44.dev20260713+nightly
codegen_flags: <defaults>
</compile_context>

<pallas_src>
import functools

import jax
import jax.numpy as jnp
from jax import lax
from jax.experimental import pallas as pl
from jax.experimental.pallas import tpu as pltpu
from jax.experimental.pallas import tpu_sc as plsc

NUM_HEADS = 16
OUT = 8



@functools.lru_cache(maxsize=None)
def _make_route(n_total: int, table_n: int):
    info = plsc.get_sparse_core_info()
    nc, ns, lanes = 1, info.num_subcores, info.num_lanes
    nw = nc * ns
    assert n_total % (nw * lanes) == 0
    c = n_total // nw
    mesh = plsc.VectorSubcoreMesh(core_axis_name="c", subcore_axis_name="s", num_cores=1)

    @functools.partial(
        pl.kernel,
        mesh=mesh,
        out_type=jax.ShapeDtypeStruct((n_total,), jnp.int32),
        scratch_types=[
            pltpu.VMEM((c,), jnp.int32),
            pltpu.VMEM((table_n,), jnp.int32),
            pltpu.VMEM((c,), jnp.int32),
        ],
        compiler_params=pltpu.CompilerParams(needs_layout_passes=False),
    )
    def route(bt_hbm, b2h_hbm, out_hbm, bt_v, b2h_v, out_v):
        wid = lax.axis_index("s") * nc + lax.axis_index("c")
        base = wid * c
        pltpu.sync_copy(bt_hbm.at[pl.ds(base, c)], bt_v)
        pltpu.sync_copy(b2h_hbm, b2h_v)

        def body(i, carry):
            off = pl.multiple_of(i * lanes, lanes)
            idx = bt_v[pl.ds(off, lanes)]
            out_v[pl.ds(off, lanes)] = plsc.load_gather(b2h_v, [idx])
            return carry

        lax.fori_loop(0, c // lanes, body, 0, unroll=4)
        pltpu.sync_copy(out_v, out_hbm.at[pl.ds(base, c)])

    return route



def _decode_block(x_ref, h_ref, w_ref, b_ref, o_ref):
    cols = NUM_HEADS * OUT
    bn = h_ref.shape[0]
    x = x_ref[...].reshape(bn, x_ref.shape[-1])
    logits = jnp.dot(x, w_ref[...], preferred_element_type=jnp.float32)
    logits = logits + b_ref[...]
    hcol = lax.broadcasted_iota(jnp.int32, logits.shape, 1) // OUT
    masked = jnp.where(hcol == h_ref[...].reshape(bn, 1), logits, 0.0)
    sel = (lax.broadcasted_iota(jnp.int32, (cols, OUT), 0) % OUT
           == lax.broadcasted_iota(jnp.int32, (cols, OUT), 1)).astype(jnp.float32)
    res = jnp.dot(masked, sel, preferred_element_type=jnp.float32)
    res_t = jnp.swapaxes(res.reshape(bn // 16, 16, OUT), 1, 2)
    o_ref[...] = res_t.reshape(o_ref.shape)


def kernel(block_type_grid, x, block2head, W_heads, b_heads):
    b, w, h, l = block_type_grid.shape
    n = b * w * h * l
    d = x.shape[-1]
    cols = NUM_HEADS * OUT
    bn = n // b

    bf = block_type_grid.reshape(n)
    head_idx = _make_route(n, block2head.shape[0])(bf, block2head)

    w_all = W_heads.transpose(1, 0, 2).reshape(d, cols)
    b_all = b_heads.reshape(1, cols)

    bb = 2
    out = pl.pallas_call(
        _decode_block,
        grid=(b // bb,),
        in_specs=[
            pl.BlockSpec((bb, w, h, l, d), lambda i: (i, 0, 0, 0, 0)),
            pl.BlockSpec((bn * bb,), lambda i: (i,)),
            pl.BlockSpec((d, cols), lambda i: (0, 0)),
            pl.BlockSpec((1, cols), lambda i: (0, 0)),
        ],
        out_specs=pl.BlockSpec((bb, w, h, OUT, l), lambda i: (i, 0, 0, 0, 0)),
        out_shape=jax.ShapeDtypeStruct((b, w, h, OUT, l), jnp.float32),
    )(x, head_idx, w_all, b_all)
    return jnp.swapaxes(out, 3, 4)

# --- scband reference (transcript-rebuilt; emitter-appended) ---
"""Pipeline reference for scband-attribute-decoder-71657234366668 (READ-ONLY COPY).

The authoritative reference and input builder live on the scoring server;
editing this copy changes nothing except your own understanding.
"""

import jax, jax.numpy as jnp
import numpy as np

NUM_BLOCKS = 256
NUM_HEADS = 16
EMB = 256
OUT = 8


def setup_inputs(seed: int = 0) -> dict:
    key = jax.random.key(seed)
    k1, k2, k3, k4 = jax.random.split(key, 4)
    block_type_grid = jax.random.randint(k1, (4, 16, 16, 16), 0, NUM_BLOCKS, dtype=jnp.int32)
    x = jax.random.normal(k2, (4, 16, 16, 16, EMB), dtype=jnp.float32)
    # routing table: block type -> attribute head index (derived from block JSON metadata in the original)
    block2head = jax.random.randint(k3, (NUM_BLOCKS,), 0, NUM_HEADS, dtype=jnp.int32)
    # stacked Linear(D, len(values)) heads from nn.ModuleDict
    W_heads = jax.random.normal(k4, (NUM_HEADS, EMB, OUT), dtype=jnp.float32) * 0.02
    b_heads = jnp.zeros((NUM_HEADS, OUT), dtype=jnp.float32)
    return {
        "block_type_grid": block_type_grid,
        "x": x,
        "block2head": block2head,
        "W_heads": W_heads,
        "b_heads": b_heads,
    }


def reference(block_type_grid, x, block2head, W_heads, b_heads):
    # Original module loops over every (b, x, y, z) voxel, looks up the block type,
    # selects the attribute head(s) for that block type, and applies a Linear head
    # to the voxel's feature vector. Vectorized here as index-routed per-voxel heads.
    B, W, H, L = block_type_grid.shape
    D = x.shape[-1]
    xf = x.reshape(-1, D)                       # [N, D]
    bf = block_type_grid.reshape(-1)            # [N]
    head_idx = jnp.take(block2head, bf, axis=0)  # [N]  (block type -> head routing)
    Wg = jnp.take(W_heads, head_idx, axis=0)    # [N, D, OUT] gather of head weights
    bg = jnp.take(b_heads, head_idx, axis=0)    # [N, OUT]
    logits = jnp.einsum('nd,ndo->no', xf, Wg) + bg  # per-voxel Linear head
    return logits.reshape(B, W, H, L, -1)

if __name__ == "__main__":
    import jax
    _d = setup_inputs()
    print(jax.jit(kernel)(*tuple(_d.values())))

</pallas_src>

<mosaic_0001>
#map = affine_map<(d0, d1) -> (0)>
module attributes {stable_mosaic.version = 14 : i64} {
  func.func @route(%arg0: i32, %arg1: i32, %arg2: memref<16384xi32, #tpu.memory_space<hbm>>, %arg3: memref<256xi32, #tpu.memory_space<hbm>>, %arg4: memref<16384xi32, #tpu.memory_space<hbm>>, %arg5: memref<1024xi32, #tpu.memory_space<vmem>>, %arg6: memref<256xi32, #tpu.memory_space<vmem>>, %arg7: memref<1024xi32, #tpu.memory_space<vmem>>) attributes {dimension_semantics = [#tpu.dimension_semantics<core_parallel>, #tpu.dimension_semantics<subcore_parallel>], iteration_bounds = array<i64: 1, 16>, scalar_prefetch = 0 : i64, scratch_operands = 3 : i64, tpu.core_type = #tpu.core_type<sc_vector_subcore>, window_params = [{transform_indices = #map}, {transform_indices = #map}, {transform_indices = #map}]} {
    %mul3A = arith.constant 1 : i32
    %mul3A_0 = arith.muli %arg1, %mul3A : i32
    %add3A = arith.addi %mul3A_0, %arg0 : i32
    %mul3A_1 = arith.constant 1024 : i32
    %mul3A_2 = arith.muli %add3A, %mul3A_1 : i32
    "tpu.region"() ({
      %run_scoped3A = tpu.sem_alloc : memref<!tpu.dma_semaphore, #tpu.memory_space<semaphore_mem>>
      %dma_start3A = tpu.memref_slice %arg2[%mul3A_2] : memref<16384xi32, #tpu.memory_space<hbm>> -> memref<1024xi32, #tpu.memory_space<hbm>>
      %dma_start3A_8 = tpu.memref_slice %arg2[%mul3A_2] : memref<16384xi32, #tpu.memory_space<hbm>> -> memref<1024xi32, #tpu.memory_space<hbm>>
      tpu.enqueue_dma source(%dma_start3A_8 : memref<1024xi32, #tpu.memory_space<hbm>>) target(%arg5 : memref<1024xi32, #tpu.memory_space<vmem>>) target_semaphore(%run_scoped3A : memref<!tpu.dma_semaphore, #tpu.memory_space<semaphore_mem>>)
      %dma_wait3A = tpu.memref_slice %arg2[%mul3A_2] : memref<16384xi32, #tpu.memory_space<hbm>> -> memref<1024xi32, #tpu.memory_space<hbm>>
      %dma_wait3A_9 = tpu.memref_slice %arg2[%mul3A_2] : memref<16384xi32, #tpu.memory_space<hbm>> -> memref<1024xi32, #tpu.memory_space<hbm>>
      tpu.wait_dma2 semaphore(%run_scoped3A : memref<!tpu.dma_semaphore, #tpu.memory_space<semaphore_mem>>) src(%dma_wait3A_9 : memref<1024xi32, #tpu.memory_space<hbm>>) dst(%arg5 : memref<1024xi32, #tpu.memory_space<vmem>>)
      tpu.yield
    }) : () -> ()
    "tpu.region"() ({
      %run_scoped3A = tpu.sem_alloc : memref<!tpu.dma_semaphore, #tpu.memory_space<semaphore_mem>>
      tpu.enqueue_dma source(%arg3 : memref<256xi32, #tpu.memory_space<hbm>>) target(%arg6 : memref<256xi32, #tpu.memory_space<vmem>>) target_semaphore(%run_scoped3A : memref<!tpu.dma_semaphore, #tpu.memory_space<semaphore_mem>>)
      tpu.wait_dma2 semaphore(%run_scoped3A : memref<!tpu.dma_semaphore, #tpu.memory_space<semaphore_mem>>) src(%arg3 : memref<256xi32, #tpu.memory_space<hbm>>) dst(%arg6 : memref<256xi32, #tpu.memory_space<vmem>>)
      tpu.yield
    }) : () -> ()
    %scan3A = arith.constant 0 : i32
    %scan3A_3 = arith.constant 0 : i32
    %scan3A_4 = arith.constant 64 : i32
    %scan3A_5 = arith.addi %scan3A_3, %scan3A_4 : i32
    %scan3A_6 = arith.constant 4 : i32
    scf.for %scan3A_8 = %scan3A_3 to %scan3A_5 step %scan3A_6  : i32 {
      %mul3A_9 = arith.constant 16 : i32
      %mul3A_10 = arith.muli %scan3A_8, %mul3A_9 : i32
      %multiple_of3A = tpu.assume_multiple %mul3A_10, 16 : i32
      %get3A = arith.index_cast %multiple_of3A : i32 to index
      %get3A_11 = tpu.vector_load %arg5[%get3A] {strides = array<i32>} : memref<1024xi32, #tpu.memory_space<vmem>>, vector<16xi32>,
      %gather3A = tpu.vector_load_idx %arg6[%get3A_11] : memref<256xi32, #tpu.memory_space<vmem>>[vector<16xi32>], vector<16xi32>,
      %swap3A = arith.index_cast %multiple_of3A : i32 to index
      %swap3A_12 = tpu.vector_load %arg7[%swap3A] {strides = array<i32>} : memref<1024xi32, #tpu.memory_space<vmem>>, vector<16xi32>,
      tpu.vector_store %arg7[%swap3A], %gather3A {strides = array<i32>} : memref<1024xi32, #tpu.memory_space<vmem>>, vector<16xi32>,
      %scan3A_13 = arith.constant 1 : i32
      %scan3A_14 = arith.addi %scan3A_8, %scan3A_13 : i32
      %mul3A_15 = arith.constant 16 : i32
      %mul3A_16 = arith.muli %scan3A_14, %mul3A_15 : i32
      %multiple_of3A_17 = tpu.assume_multiple %mul3A_16, 16 : i32
      %get3A_18 = arith.index_cast %multiple_of3A_17 : i32 to index
      %get3A_19 = tpu.vector_load %arg5[%get3A_18] {strides = array<i32>} : memref<1024xi32, #tpu.memory_space<vmem>>, vector<16xi32>,
      %gather3A_20 = tpu.vector_load_idx %arg6[%get3A_19] : memref<256xi32, #tpu.memory_space<vmem>>[vector<16xi32>], vector<16xi32>,
      %swap3A_21 = arith.index_cast %multiple_of3A_17 : i32 to index
      %swap3A_22 = tpu.vector_load %arg7[%swap3A_21] {strides = array<i32>} : memref<1024xi32, #tpu.memory_space<vmem>>, vector<16xi32>,
      tpu.vector_store %arg7[%swap3A_21], %gather3A_20 {strides = array<i32>} : memref<1024xi32, #tpu.memory_space<vmem>>, vector<16xi32>,
      %scan3A_23 = arith.constant 2 : i32
      %scan3A_24 = arith.addi %scan3A_8, %scan3A_23 : i32
      %mul3A_25 = arith.constant 16 : i32
      %mul3A_26 = arith.muli %scan3A_24, %mul3A_25 : i32
      %multiple_of3A_27 = tpu.assume_multiple %mul3A_26, 16 : i32
      %get3A_28 = arith.index_cast %multiple_of3A_27 : i32 to index
      %get3A_29 = tpu.vector_load %arg5[%get3A_28] {strides = array<i32>} : memref<1024xi32, #tpu.memory_space<vmem>>, vector<16xi32>,
      %gather3A_30 = tpu.vector_load_idx %arg6[%get3A_29] : memref<256xi32, #tpu.memory_space<vmem>>[vector<16xi32>], vector<16xi32>,
      %swap3A_31 = arith.index_cast %multiple_of3A_27 : i32 to index
      %swap3A_32 = tpu.vector_load %arg7[%swap3A_31] {strides = array<i32>} : memref<1024xi32, #tpu.memory_space<vmem>>, vector<16xi32>,
      tpu.vector_store %arg7[%swap3A_31], %gather3A_30 {strides = array<i32>} : memref<1024xi32, #tpu.memory_space<vmem>>, vector<16xi32>,
      %scan3A_33 = arith.constant 3 : i32
      %scan3A_34 = arith.addi %scan3A_8, %scan3A_33 : i32
      %mul3A_35 = arith.constant 16 : i32
      %mul3A_36 = arith.muli %scan3A_34, %mul3A_35 : i32
      %multiple_of3A_37 = tpu.assume_multiple %mul3A_36, 16 : i32
      %get3A_38 = arith.index_cast %multiple_of3A_37 : i32 to index
      %get3A_39 = tpu.vector_load %arg5[%get3A_38] {strides = array<i32>} : memref<1024xi32, #tpu.memory_space<vmem>>, vector<16xi32>,
      %gather3A_40 = tpu.vector_load_idx %arg6[%get3A_39] : memref<256xi32, #tpu.memory_space<vmem>>[vector<16xi32>], vector<16xi32>,
      %swap3A_41 = arith.index_cast %multiple_of3A_37 : i32 to index
      %swap3A_42 = tpu.vector_load %arg7[%swap3A_41] {strides = array<i32>} : memref<1024xi32, #tpu.memory_space<vmem>>, vector<16xi32>,
      tpu.vector_store %arg7[%swap3A_41], %gather3A_40 {strides = array<i32>} : memref<1024xi32, #tpu.memory_space<vmem>>, vector<16xi32>,
    }
    %scan3A_7 = arith.constant 64 : i32
    "tpu.region"() ({
      %run_scoped3A = tpu.sem_alloc : memref<!tpu.dma_semaphore, #tpu.memory_space<semaphore_mem>>
      %dma_start3A = tpu.memref_slice %arg4[%mul3A_2] : memref<16384xi32, #tpu.memory_space<hbm>> -> memref<1024xi32, #tpu.memory_space<hbm>>
      %dma_start3A_8 = tpu.memref_slice %arg4[%mul3A_2] : memref<16384xi32, #tpu.memory_space<hbm>> -> memref<1024xi32, #tpu.memory_space<hbm>>
      tpu.enqueue_dma source(%arg7 : memref<1024xi32, #tpu.memory_space<vmem>>) target(%dma_start3A_8 : memref<1024xi32, #tpu.memory_space<hbm>>) target_semaphore(%run_scoped3A : memref<!tpu.dma_semaphore, #tpu.memory_space<semaphore_mem>>)
      %dma_wait3A = tpu.memref_slice %arg4[%mul3A_2] : memref<16384xi32, #tpu.memory_space<hbm>> -> memref<1024xi32, #tpu.memory_space<hbm>>
      %dma_wait3A_9 = tpu.memref_slice %arg4[%mul3A_2] : memref<16384xi32, #tpu.memory_space<hbm>> -> memref<1024xi32, #tpu.memory_space<hbm>>
      tpu.wait_dma2 semaphore(%run_scoped3A : memref<!tpu.dma_semaphore, #tpu.memory_space<semaphore_mem>>) src(%arg7 : memref<1024xi32, #tpu.memory_space<vmem>>) dst(%dma_wait3A_9 : memref<1024xi32, #tpu.memory_space<hbm>>)
      tpu.yield
    }) : () -> ()
    return
  }
}

module attributes {stable_mosaic.version = 14 : i64} {
  func.func @_decode_block(%arg0: i32, %arg1: memref<2x16x16x16x256xf32, #tpu.memory_space<vmem>>, %arg2: memref<8192xi32, #tpu.memory_space<vmem>>, %arg3: memref<256x128xf32, #tpu.memory_space<vmem>>, %arg4: memref<1x128xf32, #tpu.memory_space<vmem>>, %arg5: memref<2x16x16x8x16xf32, #tpu.memory_space<vmem>>) attributes {dimension_semantics = [#tpu.dimension_semantics<arbitrary>], iteration_bounds = array<i64: 2>, scalar_prefetch = 0 : i64, scratch_operands = 0 : i64, tpu.core_type = #tpu.core_type<tc>, window_params = [{transform_indices = @transform_0, window_bounds = array<i64: 2, 16, 16, 16, 256>}, {transform_indices = @transform_1, window_bounds = array<i64: 8192>}, {pipeline_mode = #tpu.pipeline_mode<synchronous>, transform_indices = @transform_2, window_bounds = array<i64: 256, 128>}, {pipeline_mode = #tpu.pipeline_mode<synchronous>, transform_indices = @transform_3, window_bounds = array<i64: 1, 128>}, {transform_indices = @transform_4, window_bounds = array<i64: 2, 16, 16, 8, 16>}]} {
    %get3A = arith.constant 0 : index
    %get3A_0 = arith.constant 0 : index
    %get3A_1 = arith.constant 0 : index
    %get3A_2 = arith.constant 0 : index
    %get3A_3 = arith.constant 0 : index
    %get3A_4 = vector.load %arg1[%get3A, %get3A_0, %get3A_1, %get3A_2, %get3A_3] : memref<2x16x16x16x256xf32, #tpu.memory_space<vmem>>, vector<2x16x16x16x256xf32>
    %reshape3A = vector.shape_cast %get3A_4 : vector<2x16x16x16x256xf32> to vector<8192x256xf32>
    %get3A_5 = arith.constant 0 : index
    %get3A_6 = arith.constant 0 : index
    %get3A_7 = vector.load %arg3[%get3A_5, %get3A_6] : memref<256x128xf32, #tpu.memory_space<vmem>>, vector<256x128xf32>
    %dot_general3A = arith.constant dense<0.000000e+00> : vector<8192x128xf32>
    %dot_general3A_8 = tpu.matmul %reshape3A, %get3A_7, %dot_general3A {dimension_numbers = #tpu.dot_dimension_numbers<[1], [0], [0], [1], [0, 0, 1, 1], [], []>, transpose_lhs_hint = false} : vector<8192x256xf32>, vector<256x128xf32>, vector<8192x128xf32> -> vector<8192x128xf32>
    %get3A_9 = arith.constant 0 : index
    %get3A_10 = arith.constant 0 : index
    %get3A_11 = vector.load %arg4[%get3A_9, %get3A_10] : memref<1x128xf32, #tpu.memory_space<vmem>>, vector<1x128xf32>
    %add3A = vector.broadcast %get3A_11 : vector<1x128xf32> to vector<8192x128xf32>
    %add3A_12 = arith.addf %dot_general3A_8, %add3A : vector<8192x128xf32>
    %iota3A = tpu.iota {dimensions = array<i32: 1>} : vector<8192x128xi32>
    %jit3A = arith.constant 8 : i32
    %div3A = vector.broadcast %jit3A : i32 to vector<8192x128xi32>
    %div3A_13 = arith.divsi %iota3A, %div3A : vector<8192x128xi32>
    %sign3A = arith.constant 0 : i32
    %sign3A_14 = vector.broadcast %sign3A : i32 to vector<8192x128xi32>
    %sign3A_15 = arith.cmpi sgt, %iota3A, %sign3A_14 : vector<8192x128xi32>
    %sign3A_16 = arith.extui %sign3A_15 : vector<8192x128xi1> to vector<8192x128xi32>
    %sign3A_17 = arith.constant 0 : i32
    %sign3A_18 = vector.broadcast %sign3A_17 : i32 to vector<8192x128xi32>
    %sign3A_19 = arith.cmpi slt, %iota3A, %sign3A_18 : vector<8192x128xi32>
    %sign3A_20 = arith.extui %sign3A_19 : vector<8192x128xi1> to vector<8192x128xi32>
    %sign3A_21 = arith.subi %sign3A_16, %sign3A_20 : vector<8192x128xi32>
    %sign3A_22 = arith.constant 0 : i32
    %sign3A_23 = arith.cmpi sgt, %jit3A, %sign3A_22 : i32
    %sign3A_24 = arith.extui %sign3A_23 : i1 to i32
    %sign3A_25 = arith.constant 0 : i32
    %sign3A_26 = arith.cmpi slt, %jit3A, %sign3A_25 : i32
    %sign3A_27 = arith.extui %sign3A_26 : i1 to i32
    %sign3A_28 = arith.subi %sign3A_24, %sign3A_27 : i32
    %ne3A = vector.broadcast %sign3A_28 : i32 to vector<8192x128xi32>
    %ne3A_29 = arith.cmpi ne, %sign3A_21, %ne3A : vector<8192x128xi32>
    %rem3A = vector.broadcast %jit3A : i32 to vector<8192x128xi32>
    %rem3A_30 = arith.remsi %iota3A, %rem3A : vector<8192x128xi32>
    %ne3A_31 = arith.constant 0 : i32
    %ne3A_32 = vector.broadcast %ne3A_31 : i32 to vector<8192x128xi32>
    %ne3A_33 = arith.cmpi ne, %rem3A_30, %ne3A_32 : vector<8192x128xi32>
    %and3A = arith.andi %ne3A_29, %ne3A_33 : vector<8192x128xi1>
    %sub3A = arith.constant 1 : i32
    %sub3A_34 = vector.broadcast %sub3A : i32 to vector<8192x128xi32>
    %sub3A_35 = arith.subi %div3A_13, %sub3A_34 : vector<8192x128xi32>
    %select_n3A = arith.select %and3A, %sub3A_35, %div3A_13 : vector<8192x128xi1>, vector<8192x128xi32>
    %get3A_36 = arith.constant 0 : index
    %get3A_37 = vector.load %arg2[%get3A_36] : memref<8192xi32, #tpu.memory_space<vmem>>, vector<8192xi32>
    %reshape3A_38 = vector.shape_cast %get3A_37 : vector<8192xi32> to vector<8192x1xi32>
    %eq3A = vector.broadcast %reshape3A_38 : vector<8192x1xi32> to vector<8192x128xi32>
    %eq3A_39 = arith.cmpi eq, %select_n3A, %eq3A : vector<8192x128xi32>
    %jit3A_40 = arith.constant 0.000000e+00 : f32
    %broadcast_in_dim3A = vector.broadcast %jit3A_40 : f32 to vector<8192x128xf32>
    %select_n3A_41 = arith.select %eq3A_39, %add3A_12, %broadcast_in_dim3A : vector<8192x128xi1>, vector<8192x128xf32>
    %iota3A_42 = tpu.iota {dimensions = array<i32: 0>} : vector<128x8xi32>
    %jit3A_43 = arith.constant 8 : i32
    %eq3A_44 = arith.constant 0 : i32
    %eq3A_45 = arith.cmpi eq, %jit3A_43, %eq3A_44 : i32
    %jit3A_46 = arith.constant 1 : i32
    %select_n3A_47 = arith.select %eq3A_45, %jit3A_46, %jit3A_43 : i32
    %rem3A_48 = vector.broadcast %select_n3A_47 : i32 to vector<128x8xi32>
    %rem3A_49 = arith.remsi %iota3A_42, %rem3A_48 : vector<128x8xi32>
    %ne3A_50 = arith.constant 0 : i32
    %ne3A_51 = vector.broadcast %ne3A_50 : i32 to vector<128x8xi32>
    %ne3A_52 = arith.cmpi ne, %rem3A_49, %ne3A_51 : vector<128x8xi32>
    %lt3A = arith.constant 0 : i32
    %lt3A_53 = vector.broadcast %lt3A : i32 to vector<128x8xi32>
    %lt3A_54 = arith.cmpi slt, %rem3A_49, %lt3A_53 : vector<128x8xi32>
    %lt3A_55 = arith.constant 0 : i32
    %lt3A_56 = arith.cmpi slt, %select_n3A_47, %lt3A_55 : i32
    %ne3A_57 = vector.broadcast %lt3A_56 : i1 to vector<128x8xi1>
    %ne3A_58 = vector.broadcast %ne3A_57 : vector<128x8xi1> to vector<128x8xi1>
    %ne3A_59 = arith.xori %lt3A_54, %ne3A_58 : vector<128x8xi1>
    %and3A_60 = arith.andi %ne3A_59, %ne3A_52 : vector<128x8xi1>
    %add3A_61 = vector.broadcast %select_n3A_47 : i32 to vector<128x8xi32>
    %add3A_62 = arith.addi %rem3A_49, %add3A_61 : vector<128x8xi32>
    %select_n3A_63 = arith.select %and3A_60, %add3A_62, %rem3A_49 : vector<128x8xi1>, vector<128x8xi32>
    %iota3A_64 = tpu.iota {dimensions = array<i32: 1>} : vector<128x8xi32>
    %eq3A_65 = arith.cmpi eq, %select_n3A_63, %iota3A_64 : vector<128x8xi32>
    %convert_element_type3A = arith.extui %eq3A_65 : vector<128x8xi1> to vector<128x8xi32>
    %convert_element_type3A_66 = arith.sitofp %convert_element_type3A : vector<128x8xi32> to vector<128x8xf32>
    %dot_general3A_67 = arith.constant dense<0.000000e+00> : vector<8192x8xf32>
    %dot_general3A_68 = tpu.matmul %select_n3A_41, %convert_element_type3A_66, %dot_general3A_67 {dimension_numbers = #tpu.dot_dimension_numbers<[1], [0], [0], [1], [0, 0, 1, 1], [], []>, transpose_lhs_hint = false} : vector<8192x128xf32>, vector<128x8xf32>, vector<8192x8xf32> -> vector<8192x8xf32>
    %reshape3A_69 = vector.shape_cast %dot_general3A_68 : vector<8192x8xf32> to vector<512x16x8xf32>
    %transpose3A = tpu.transpose %reshape3A_69, [0, 2, 1] : vector<512x16x8xf32> -> vector<512x8x16xf32>
    %reshape3A_70 = vector.shape_cast %transpose3A : vector<512x8x16xf32> to vector<2x16x16x8x16xf32>
    %swap3A = arith.constant 0 : index
    %swap3A_71 = arith.constant 0 : index
    %swap3A_72 = arith.constant 0 : index
    %swap3A_73 = arith.constant 0 : index
    %swap3A_74 = arith.constant 0 : index
    %swap3A_75 = vector.load %arg5[%swap3A, %swap3A_71, %swap3A_72, %swap3A_73, %swap3A_74] : memref<2x16x16x8x16xf32, #tpu.memory_space<vmem>>, vector<2x16x16x8x16xf32>
    tpu.vector_store %arg5[%swap3A, %swap3A_71, %swap3A_72, %swap3A_73, %swap3A_74], %reshape3A_70 {strides = array<i32>} : memref<2x16x16x8x16xf32, #tpu.memory_space<vmem>>, vector<2x16x16x8x16xf32>,
    return
  }
  func.func @transform_0(%arg0: i32) -> (i32, i32, i32, i32, i32) {
    %c0_i32 = arith.constant 0 : i32
    %c0_i32_0 = arith.constant 0 : i32
    %c0_i32_1 = arith.constant 0 : i32
    %c0_i32_2 = arith.constant 0 : i32
    %c0_i32_3 = arith.constant 0 : i32
    return %arg0, %c0_i32, %c0_i32_0, %c0_i32_1, %c0_i32_2 : i32, i32, i32, i32, i32
  }
  func.func @transform_1(%arg0: i32) -> i32 {
    %c0_i32 = arith.constant 0 : i32
    return %arg0 : i32
  }
  func.func @transform_2(%arg0: i32) -> (i32, i32) {
    %c0_i32 = arith.constant 0 : i32
    %c0_i32_0 = arith.constant 0 : i32
    %c0_i32_1 = arith.constant 0 : i32
    return %c0_i32, %c0_i32_0 : i32, i32
  }
  func.func @transform_3(%arg0: i32) -> (i32, i32) {
    %c0_i32 = arith.constant 0 : i32
    %c0_i32_0 = arith.constant 0 : i32
    %c0_i32_1 = arith.constant 0 : i32
    return %c0_i32, %c0_i32_0 : i32, i32
  }
  func.func @transform_4(%arg0: i32) -> (i32, i32, i32, i32, i32) {
    %c0_i32 = arith.constant 0 : i32
    %c0_i32_0 = arith.constant 0 : i32
    %c0_i32_1 = arith.constant 0 : i32
    %c0_i32_2 = arith.constant 0 : i32
    %c0_i32_3 = arith.constant 0 : i32
    return %arg0, %c0_i32, %c0_i32_0, %c0_i32_1, %c0_i32_2 : i32, i32, i32, i32, i32
  }
}

</mosaic_0001>

<sc_bundles>
// kernel: kernel.4.cloned.1.call-start
scs
__scs_entry_jumppad:
0x0: {  	(pc) =	sbr.rel $0x88, $3  }
0x1: {  	(tag) =	ssettag $0x0;
	lr =	simm.s32 $0x1  }
0x2: {  	[smem:$0x3F9C] =	sst lr;
	_ =	strace $0xD0000000  }
0x3: {  	_ = 	snop  }
0x4: {  	_ = 	snop  }
0x5: {  	_ = 	snop  }
0x6: {  	_ = 	snop  }
0x7: {  	_ = 	snop  }
__scs_overlays_trampoline_lowered:
0x8: {  	[smem:$0x3FAB] =	sst s0  }
0x9: {  	[smem:$0x3FAC] =	sst s1  }
0xa: {  	[smem:$0x3FAD] =	sst s2  }
0xb: {  	[smem:$0x3FAE] =	sst s3  }
0xc: {  	[smem:$0x3FAF] =	sst s4  }
0xd: {  	[smem:$0x3FB0] =	sst s5  }
0xe: {  	[smem:$0x3FB1] =	sst s6  }
0xf: {  	[smem:$0x3FB2] =	sst s7  }
0x10: {  	[smem:$0x3FB3] =	sst s8  }
0x11: {  	[smem:$0x3FB4] =	sst s9;
	s0 =	simm.s32 @!p0 $0x0  }
0x12: {  	s1 =	sld [smem:$0x3F9A];
	s0 =	simm.s32 @p0 $0x1  }
0x13: {  	[smem:$0x3FB5] =	sst s0;
	s0 =	simm.s32 @!p1 $0x0  }
0x14: {  	s2 =	sld [smem:$0x3F99];
	s0 =	simm.s32 @p1 $0x1  }
0x15: {  	[smem:$0x3FB6] =	sst s0;
	s0 =	simm.s32 @!p2 $0x0  }
0x16: {  	s3 =	sld [smem:$0x3FDB];
	s0 =	simm.s32 @p2 $0x1  }
0x17: {  	s4 =	simm.s32 $0x1BF5;
	[smem:$0x3FB8] =	sst s0  }
0x18: {  	s0 =	sld [smem:$0x3F9B];
	_ =	swait.ge [sflag:s4], $0x0  }
0x19: {  	s7 =	sld [smem:$0x3F9C]  }
0x1a: {  	s8 =	sadd.s32 $0xFFFFE003, lr  }
0x1b: {  	s9 =	sadd.s32 $0xFFFFFEF7, lr;
	s5 =	simm.s32 $0xFFFFFFFF;
	p2 =	slt.u32 s8, $0xFFFFF086  }
0x1c: {  	p1 =	slt.u32 s9, $0xF7A;
	s5 =	simm.s32 @!p2 $0x0  }
0x1d: {  	s5 =	simm.s32 @p1 $0x1;
	p0 =	seq.s32 s7, s2  }
0x1e: {  	s7 =	smul.u32 @!p0 $0xF7A, s2;
	p2 =	seq.s32 @!p0 s5, $0x0  }
0x1f: {  	s9 =	smul.u32 $0xF7A, s1;
	s8 =	simm.s32 @!p0 $0x1BF5;
	p2 =	por !p2, p0  }
0x20: {  	[sflag:s8] =	ssyncset.s32 @!p0 $0xFFFFF086;
	s6 =	sadd.s32 @!p0 s3, s7;
	s7 =	simm.s32 @!p0 $0x108  }
0x21: {  	s3 =	sadd.s32 s3, s9;
	s6 =	sadd.s32 @!p0 $0x88, s6;
	s7 =	simm.s32 @p2 $0x1082  }
0x22: {  	[simem:s7], [sflag:s8] =	dma.local @!p0 [hbm:s6], $0xF7A  }
0x23: {  	s9 =	sor.u32 $0xD0000000, s2;
	s6 =	simm.s32 $0x108;
	_ =	swait.ge @!p0 [sflag:s8], $0x0  }
0x24: {  	s3 =	sadd.s32 $0x88, s3;
	s6 =	simm.s32 @!p1 $0x1082;
	[sflag:s4] =	ssyncset.s32 $0xFFFFF086  }
0x25: {  	[simem:s6], [sflag:s4] =	dma.local [hbm:s3], $0xF7A  }
0x26: {  	[smem:$0x3F9C] =	sst s1;
	(tag) =	ssettag s2;
	_ =	strace s9  }
0x27: {  	s1 =	sld [smem:$0x3FAC]  }
0x28: {  	s2 =	sld [smem:$0x3FAD]  }
0x29: {  	s4 =	sld [smem:$0x3FAF]  }
0x2a: {  	p0 =	seq.s32 s5, $0x0;
	s5 =	sld [smem:$0x3FB0]  }
0x2b: {  	s6 =	sld [smem:$0x3FB1]  }
0x2c: {  	s7 =	sld [smem:$0x3FB2]  }
0x2d: {  	s3 =	simm.s32 $0x108;
	s8 =	sld [smem:$0x3FB3]  }
0x2e: {  	s3 =	simm.s32 @!p0 $0x1082;
	s9 =	sld [smem:$0x3FB4]  }
0x2f: {  	lr =	sadd.s32 s0, s3;
	s0 =	sld [smem:$0x3FAB]  }
0x30: {  	s3 =	sld [smem:$0x3FAE]  }
0x31: {  	[smem:$0x3FB7] =	sst s10  }
0x32: {  	s10 =	sld [smem:$0x3FB5];
	_ =	sdelay $0x3  }
0x33: {  	p0 =	seq.s32 s10, $0x1;
	s10 =	sld [smem:$0x3FB7];
	_ =	sdelay $0x3  }
0x34: {  	[smem:$0x3FB7] =	sst s10  }
0x35: {  	s10 =	sld [smem:$0x3FB6];
	_ =	sdelay $0x3  }
0x36: {  	p1 =	seq.s32 s10, $0x1;
	s10 =	sld [smem:$0x3FB7];
	_ =	sdelay $0x3  }
0x37: {  	[smem:$0x3FB7] =	sst s10  }
0x38: {  	s10 =	sld [smem:$0x3FB8]  }
0x39: {  	_ = 	snop;
	(pc) =	sbr.ind lr, $3  }
0x3a: {  	_ = 	snop  }
0x3b: {  	_ = 	snop  }
0x3c: {  	p2 =	seq.s32 s10, $0x1;
	s10 =	sld [smem:$0x3FB7]  }
0x3d: {  	_ =	shalt  }
0x3e: {  	_ =	shalt  }
0x3f: {  	_ =	shalt  }
0x40: {  	_ =	shalt  }
0x41: {  	_ =	shalt  }
0x42: {  	_ =	shalt  }
0x43: {  	_ =	shalt  }
0x44: {  	_ =	shalt  }
0x45: {  	_ =	shalt  }
0x46: {  	_ =	shalt  }
0x47: {  	_ =	shalt  }
0x48: {  	_ =	shalt  }
0x49: {  	_ =	shalt  }
0x4a: {  	_ =	shalt  }
0x4b: {  	_ =	shalt  }
0x4c: {  	_ =	shalt  }
0x4d: {  	_ =	shalt  }
0x4e: {  	_ =	shalt  }
0x4f: {  	_ =	shalt  }
0x50: {  	_ =	shalt  }
0x51: {  	_ =	shalt  }
0x52: {  	_ =	shalt  }
0x53: {  	_ =	shalt  }
0x54: {  	_ =	shalt  }
0x55: {  	_ =	shalt  }
0x56: {  	_ =	shalt  }
0x57: {  	_ =	shalt  }
0x58: {  	_ =	shalt  }
0x59: {  	_ =	shalt  }
0x5a: {  	_ =	shalt  }
0x5b: {  	_ =	shalt  }
0x5c: {  	_ =	shalt  }
0x5d: {  	_ =	shalt  }
0x5e: {  	_ =	shalt  }
0x5f: {  	_ =	shalt  }
0x60: {  	_ =	shalt  }
0x61: {  	_ =	shalt  }
0x62: {  	_ =	shalt  }
0x63: {  	_ =	shalt  }
0x64: {  	_ =	shalt  }
0x65: {  	_ =	shalt  }
0x66: {  	_ =	shalt  }
0x67: {  	_ =	shalt  }
0x68: {  	_ =	shalt  }
0x69: {  	_ =	shalt  }
0x6a: {  	_ =	shalt  }
0x6b: {  	_ =	shalt  }
0x6c: {  	_ =	shalt  }
0x6d: {  	_ =	shalt  }
0x6e: {  	_ =	shalt  }
0x6f: {  	_ =	shalt  }
0x70: {  	_ =	shalt  }
0x71: {  	_ =	shalt  }
0x72: {  	_ =	shalt  }
0x73: {  	_ =	shalt  }
0x74: {  	_ =	shalt  }
0x75: {  	_ =	shalt  }
0x76: {  	_ =	shalt  }
0x77: {  	_ =	shalt  }
0x78: {  	_ =	shalt  }
0x79: {  	_ =	shalt  }
0x7a: {  	_ =	shalt  }
0x7b: {  	_ =	shalt  }
0x7c: {  	_ =	shalt  }
0x7d: {  	_ =	shalt  }
0x7e: {  	_ =	shalt  }
0x7f: {  	_ =	shalt  }
0x80: {  	_ =	shalt  }
0x81: {  	_ =	shalt  }
0x82: {  	_ =	shalt  }
0x83: {  	_ =	shalt  }
0x84: {  	_ =	shalt  }
0x85: {  	_ =	shalt  }
0x86: {  	_ =	shalt  }
0x87: {  	_ =	shalt  }
.Lfunc_end0:
.L_simem_size_0:
called_computation_lowered:
.L_overlay_start_0:
0x88: {  	s0 =	sld [smem:$0x3FD9]  }
0x89: {  	s1 =	sld [smem:$0x3FFE];
	_ =	sdelay $0x3  }
0x8a: {  	s0 =	sadd.s32 s1, s0  }
0x8b: {  	[smem:$0x3FC3] =	sst s0  }
0x8c: {  	_ = 	snop  }
0x8d: {  	s0 =	sld [smem:$0x3FC7]  }
0x8e: {  	s16 =	sld [smem:$0x3FD0];
	(tm) =	ssettm $0x1  }
0x8f: {  	s2 =	sld [smem:$0x3FFB];
	_ =	sdelay $0x3  }
0x90: {  	_ =	strace s2  }
0x91: {  	s2 =	sld [smem:$0x3FFC];
	_ =	sdelay $0x3  }
0x92: {  	_ =	strace s2  }
0x93: {  	s2 =	sld [smem:$0x3FFD];
	_ =	sdelay $0x3  }
0x94: {  	_ =	strace s2  }
0x95: {  	_ =	strace $0x8FFFFFFF  }
0x96: {  	s17 =	sld [smem:$0x3FDB];
	_ =	sdelay $0x1  }
0x97: {  	s3 =	simm.s32 $_scs_section_size  }
0x98: {  	s4 =	simm.s32 $_size__tile_overlayer_lowered;
	s5 =	simm.s32 $_tile_overlayer_lowered  }
0x99: {  	s20 =	simm.s32 $0x1BFF;
	s19 =	sshll.u32 s5, $0x1;
	s2 =	sadd.s32 s3, s17  }
0x9a: {  	s6 =	simm.s32 $0x0;
	s18 =	sshll.u32 s4, $0x1;
	s4 =	sadd.s32 s19, s2  }
0x9b: {  	[timem:s6], [sflag:s20] =	dma.local [hbm:s4], s18  }
0x9c: {  	_ =	swait.ge [sflag:s20], s18  }
0x9d: {  	s3 =	ssub.s32 $0x0, s18;
	[sflag:s20] =	ssyncset.done $0x0  }
0x9e: {  	[sflag:s20] =	ssyncadd.s32 s3;
	_ =	sdelay $0x1  }
0x9f: {  	s21 =	simm.s32 $0x1B8B  }
0xa0: {  	_ =	swait.ge [sflag:s21], $0x1  }
0xa1: {  	[sflag:s21] =	ssyncset.done $0x0  }
0xa2: {  	s23 =	simm.s32 $0x1B8E;
	s22 =	sld [smem:$0x3FFE];
	[sflag:s21] =	ssyncadd.s32 $0xFFFFFFFF  }
0xa3: {  	s24 =	simm.s32 $execute0_lowered;
	[smem:$0x3FD2] =	sst s23  }
0xa4: {  	s4 =	sshll.u32 s24, $0x1;
	_ =	strace $0x80000046;
	[dreg:$0x1] =	wrdreg $0xFFFFFFFF  }
0xa5: {  	s25 =	simm.s32 $_size_execute0_lowered;
	s2 =	sadd.s32 s2, s4;
	[dreg:$0x0] =	wrdreg $0x0  }
0xa6: {  	s4 =	sshll.u32 s25, $0x1;
	[dreg:$0x2] =	wrdreg s2  }
0xa7: {  	[dreg:$0x3] =	wrdreg s4  }
0xa8: {  	[dreg:$0x4] =	wrdreg $0xC0  }
0xa9: {  	_ =	task [dreg:s6], $0x5FFFF  }
0xaa: {  	[dreg:$0x1] =	wrdreg $0xFFFFFFFF  }
0xab: {  	[dreg:$0x0] =	wrdreg $0x60  }
0xac: {  	[dreg:$0x2] =	wrdreg s16  }
0xad: {  	[dreg:$0x3] =	wrdreg s0  }
0xae: {  	[dreg:$0x4] =	wrdreg s22  }
0xaf: {  	[dreg:$0x5] =	wrdreg $0x9  }
0xb0: {  	_ =	task.clear_ibuf [dreg:s6], $0x6FFFF;
	_ =	strace $0x90000046  }
0xb1: {  	s26 =	simm.s32 $0x9;
	_ =	strace $0x80000048  }
0xb2: {  	_ =	swait.ge [sflag:s26], $0x1  }
0xb3: {  	[sflag:s26] =	ssyncadd.s32 $0xFFFFFFFF  }
0xb4: {  	_ =	strace $0x90000048  }
0xb5: {  	_ =	sfence  }
0xb6: {  	s28 =	sld [smem:$0x0];
	_ =	sdelay $0x1  }
0xb7: {  	s29 =	srdreg.scid  }
0xb8: {  	s30 =	sshll.u32 s29, $0xD;
	s31 =	sshrl.u32 s29, $0x2  }
0xb9: {  	s1 =	sand.u32 $0x1, s29;
	s2 =	sand.u32 $0x4000, s30;
	s0 =	sadd.s32 s31, s28  }
0xba: {  	s1 =	sor.u32 s2, s1;
	s0 =	sshll.u32 s0, $0x11  }
0xbb: {  	s0 =	sor.u32 s0, s1  }
0xbc: {  	s0 =	sadd.s32 $0x8F2B, s0  }
0xbd: {  	[sflag:s0] =	ssyncadd.remote.s32 $0x1  }
0xbe: {  	_ =	sfence.sel $0xFFFF  }
0xbf: {  	[dreg:$0x0] =	wrdreg $0xFFFFFFFF;
	(pc) =	sbr.abs _section_cstart, $3  }
0xc0: {  	[dreg:$0x1] =	wrdreg $0xFFFFFFFF  }
0xc1: {  	_ =	task.clear_ibuf [dreg:s6], $0x2FFFF;
	_ =	strace $0x9FFFFFFF  }
0xc2: {  	(tm) =	ssettm $0x7FFFFFFF  }
0xc3: {  	_ =	shalt  }
tec
execute0_lowered:
.L_overlay_start_1:
0x0: {  	(tag) =	ssettag $0x1  }
0x1: {  	s3 =	rddreg [dreg:$0x0]  }
0x2: {  	s4 =	rddreg [dreg:$0x1]  }
0x3: {  	s5 =	rddreg [dreg:$0x2]  }
0x4: {  	s0 =	rddreg [dreg:$0x3];
	s6 =	simm.s32 $0x0;
	s1 =	stileid.u32  }
0x5: {  	[smem:$0x7FF] =	sst s6;
	s2 =	sshll.u32 s1, $0x7  }
0x6: {  	s7 =	simm.s32 $0x1;
	_ =	strace $0x80000047;
	s3 =	sadd.s32 s3, s2  }
0x7: {  	[tilespmem:s6], [sflag:$0x1] =	stream.linear.gather [hbm4b:s3+s6], $0x400, $0x38;
	[tilespmem:$0x900] =	vst v63  }
0x8: {  	_ =	swait.ge [sflag:s7], $0x400  }
0x9: {  	[sflag:s7] =	ssyncset.done $0x0  }
0xa: {  	s3 =	simm.s32 $0x400;
	[sflag:s7] =	ssyncadd.s32 $0xFFFFFC00  }
0xb: {  	[tilespmem:s3], [sflag:$0x1] =	stream.linear.gather [hbm4b:s4+s6], $0x100, $0x38;
	[tilespmem:$0x900] =	vst v63  }
0xc: {  	_ =	swait.ge [sflag:s7], $0x100  }
0xd: {  	s4 =	sadd.s32 $0x800, s5;
	s5 =	simm.s32 $0xFFFFFFFC;
	[sflag:s7] =	ssyncset.done $0x0  }
0xe: {  	s6 =	simm.s32 $0x520;
	[sflag:s7] =	ssyncadd.s32 $0xFFFFFF00;
	s7 =	simm.s32 $0x20  }
.LBB2_1:
0xf: {  	v0 =	vld [tilespmem:s7+$0xFFFFFFE0];
	_ =	sdelay $0x7  }
0x10: {  	v0 =	vld.idx.msk [tilespmem:v0+s3+$0x0], $0xffff;
	_ =	sdelay $0x4  }
0x11: {  	[tilespmem:s6+$0xFFFFFFE0] =	vst v0  }
0x12: {  	v0 =	vld [tilespmem:s7+$0xFFFFFFF0];
	_ =	sdelay $0x7  }
0x13: {  	v0 =	vld.idx.msk [tilespmem:v0+s3+$0x0], $0xffff;
	_ =	sdelay $0x4  }
0x14: {  	[tilespmem:s6+$0xFFFFFFF0] =	vst v0  }
0x15: {  	v0 =	vld [tilespmem:s7+$0x0];
	_ =	sdelay $0x7  }
0x16: {  	v0 =	vld.idx.msk [tilespmem:v0+s3+$0x0], $0xffff;
	_ =	sdelay $0x4  }
0x17: {  	[tilespmem:s6+$0x0] =	vst v0  }
0x18: {  	v0 =	vld [tilespmem:s7+$0x10];
	_ =	sdelay $0x6  }
0x19: {  	s5 =	sadd.s32 $0x4, s5  }
0x1a: {  	p0 =	slt.u32 s5, $0x3C;
	v0 =	vld.idx.msk [tilespmem:v0+s3+$0x0], $0xffff  }
.Ltmp0:
0x1b: {  	_ = 	snop;
	(pc) =	sbr.rel @p0 .LBB2_1-.Ltmp0, $2  }
0x1c: {  	_ =	sdelay $0x2  }
0x1d: {  	s7 =	sadd.s32 $0x40, s7;
	[tilespmem:s6+$0x10] =	vst v0;
	s6 =	sadd.s32 $0x40, s6  }
0x1e: {  	s2 =	sadd.s32 s4, s2  }
0x1f: {  	s3 =	simm.s32 $0x0;
	s30 =	simm.s32 $0x500;
	s31 =	simm.s32 $0x1  }
0x20: {  	[hbm4b:s2+s3] =	stream.linear.scatter [tilespmem:s30], [sflag:$0x1], $0x400, $0x38;
	[tilespmem:$0x900] =	vst v63  }
0x21: {  	_ =	swait.ge [sflag:s31], $0x400  }
0x22: {  	[sflag:s31] =	ssyncset.done $0x0  }
0x23: {  	[sflag:s31] =	ssyncadd.s32 $0xFFFFFC00  }
0x24: {  	_ =	sfence.sel $0x180000  }
0x25: {  	[bflag:$0x0] =	sbarrier.arrive $0xFFFF  }
0x26: {  	p0 =	sne.s32 s1, $0x0;
	_ =	strace $0x90000047  }
0x27: {  	s0 =	sadd.s32 @!p0 $0x100000, s0;
	[bflag:$0x2] =	sbarrier.arrive $0xFFFF  }
0x28: {  	[sflag:s0] =	ssyncadd.tile.s32 @!p0 $0x1;
	_ =	shalt  }
.Lfunc_end2:
_tile_overlayer_lowered:
.L_overlay_start_2:
0x29: {  	(tag) =	ssettag $0x2  }
0x2a: {  	s0 =	rddreg [dreg:$0x0];
	s2 =	stileid.u32  }
0x2b: {  	s1 =	rddreg [dreg:$0x1];
	p0 =	sne.s32 s2, $0x0  }
0x2c: {  	s3 =	rddreg [dreg:$0x2];
	[bflag:$0x3] =	sbarrier.arrive $0xFFFF;
	s2 =	simm.s32 @!p0 $0x1C01  }
0x2d: {  	[timem:s3], [sflag:s2] =	dma.local @!p0 [hbm:s0], s1  }
0x2e: {  	s0 =	simm.s32 @!p0 $0x1  }
0x2f: {  	_ =	swait.ge @!p0 [sflag:s0], s1  }
0x30: {  	s1 =	ssub.s32 @!p0 $0x0, s1;
	[sflag:s0] =	ssyncset.done @!p0 $0x0  }
0x31: {  	[sflag:s0] =	ssyncadd.s32 @!p0 s1  }
0x32: {  	[bflag:$0x3] =	sbarrier.arrive $0xFFFF  }
0x33: {  	_ =	shalt  }

</sc_bundles>
